<compile_context>
chip_gen: v7x
topology: tpu7x:2x2x1
jax: 0.10.2.dev20260603
libtpu: 0.0.44.dev20260713+nightly
codegen_flags: <defaults>
</compile_context>

<pallas_src>
import functools

import jax
import jax.numpy as jnp
from jax import lax
from jax.experimental import pallas as pl
from jax.experimental.pallas import tpu as pltpu
from jax.experimental.pallas import tpu_sc as plsc

NUM_CLASSES = 1000000
BATCH = 16384

_INFO = plsc.get_sparse_core_info()
_NC, _NS = _INFO.num_cores, _INFO.num_subcores
_NW = _NC * _NS
_BPW = BATCH // _NW
_GCHUNK = 128
_NGC = _BPW // _GCHUNK

_GRANULES = 1953
_PER_W = _GRANULES * 16
_TAIL_OFF = _PER_W * _NW
_TAIL = NUM_CLASSES - _TAIL_OFF
_NCHUNK = 2
_CGRAN = 976
_CHUNK_ELEMS = _CGRAN * 16
_UNROLL = 8


def _sc_gather_sum(probs, idx):
    mesh = plsc.VectorSubcoreMesh(core_axis_name="c", subcore_axis_name="s")

    @functools.partial(
        pl.kernel,
        mesh=mesh,
        out_type=(
            jax.ShapeDtypeStruct((BATCH,), jnp.float32),
            jax.ShapeDtypeStruct((_NW * 16,), jnp.float32),
        ),
        scratch_types=[
            pltpu.VMEM((_BPW,), jnp.int32),
            pltpu.VMEM((_BPW,), jnp.float32),
            pltpu.VMEM((_PER_W,), jnp.float32),
            pltpu.VMEM((_TAIL,), jnp.float32),
            pltpu.VMEM((16,), jnp.float32),
            pltpu.SemaphoreType.DMA,
            pltpu.SemaphoreType.DMA((_NCHUNK,)),
        ],
    )
    def k(table_hbm, idx_hbm, out_hbm, psum_hbm,
          idx_v, vals_v, slab_v, tail_v, part_v, gsem, csem):
        wid = lax.axis_index("s") * _NC + lax.axis_index("c")
        gbase = wid * _BPW
        sbase = wid * _PER_W

        chunk_cps = [
            pltpu.async_copy(
                table_hbm.at[pl.ds(sbase + c * _CHUNK_ELEMS, _CHUNK_ELEMS)],
                slab_v.at[pl.ds(c * _CHUNK_ELEMS, _CHUNK_ELEMS)],
                csem.at[c])
            for c in range(_NCHUNK)
        ]
        rest_cp = pltpu.async_copy(
            table_hbm.at[pl.ds(sbase + _NCHUNK * _CHUNK_ELEMS,
                               (_GRANULES - _NCHUNK * _CGRAN) * 16)],
            slab_v.at[pl.ds(_NCHUNK * _CHUNK_ELEMS,
                            (_GRANULES - _NCHUNK * _CGRAN) * 16)],
            gsem)

        pltpu.sync_copy(idx_hbm.at[pl.ds(gbase, _BPW)], idx_v)
        gather_cps = [
            pltpu.async_copy(table_hbm.at[idx_v.at[pl.ds(j * _GCHUNK, _GCHUNK)]],
                             vals_v.at[pl.ds(j * _GCHUNK, _GCHUNK)], gsem)
            for j in range(_NGC)
        ]

        zeros = jnp.zeros((16,), jnp.float32)
        accs = [zeros] * _UNROLL
        for c in range(_NCHUNK):
            chunk_cps[c].wait()
            cbase = c * _CHUNK_ELEMS

            def body(i, a, _cbase=cbase):
                base = _cbase + i * (16 * _UNROLL)
                return tuple(
                    a[u] + slab_v[pl.ds(base + u * 16, 16)]
                    for u in range(_UNROLL)
                )

            accs = lax.fori_loop(0, _CGRAN // _UNROLL, body, tuple(accs))
        acc = accs[0]
        for u in range(1, _UNROLL):
            acc = acc + accs[u]
        rest_cp.wait()
        for g in range(_NCHUNK * _CGRAN, _GRANULES):
            acc = acc + slab_v[pl.ds(g * 16, 16)]

        part_v[...] = acc

        @pl.when(wid == 0)
        def _add_tail():
            pltpu.sync_copy(table_hbm.at[pl.ds(_TAIL_OFF, _TAIL)], tail_v)
            extra = jnp.zeros((16,), jnp.float32)
            for g in range(_TAIL // 16):
                extra = extra + tail_v[pl.ds(g * 16, 16)]
            part_v[...] = acc + extra

        pltpu.sync_copy(part_v, psum_hbm.at[pl.ds(wid * 16, 16)])

        for j in range(_NGC):
            gather_cps[j].wait()
        pltpu.sync_copy(vals_v, out_hbm.at[pl.ds(gbase, _BPW)])

    return k(probs, idx)


def _tc_body(g_ref, p_ref, out_ref):
    total = jnp.sum(p_ref[...])
    out_ref[...] = jnp.log(g_ref[...]) - jnp.log(total)


def _tc_combine(gathered, psums):
    return pl.pallas_call(
        _tc_body,
        out_shape=jax.ShapeDtypeStruct((BATCH,), jnp.float32),
    )(gathered, psums)


def kernel(probs, x):
    idx = x.reshape(BATCH).astype(jnp.int32)
    gathered, psums = _sc_gather_sum(probs, idx)
    return _tc_combine(gathered, psums)

# --- scband reference (transcript-rebuilt; emitter-appended) ---
"""Pipeline reference for scband-categorical-58866821759324 (READ-ONLY COPY).

The authoritative reference and input builder live on the scoring server;
editing this copy changes nothing except your own understanding.
"""

import jax, jax.numpy as jnp
import numpy as np

NUM_CLASSES = 1000000
BATCH = 16384


def setup_inputs(seed: int = 0) -> dict:
    key = jax.random.key(seed)
    k1, _ = jax.random.split(key)
    x = jax.random.randint(k1, (BATCH, 1, 1), 0, NUM_CLASSES, dtype=jnp.int64 if jax.config.jax_enable_x64 else jnp.int32)
    # Learned/param tensor of the module: uniform categorical probs = ones(K)/K
    probs = jnp.ones((NUM_CLASSES,), dtype=jnp.float32) / NUM_CLASSES
    return {"probs": probs, "x": x}


def reference(probs, x):
    # Faithful translation of torch.distributions.Categorical(probs).log_prob(x).flatten(1).sum(1)
    # torch normalizes probs internally: logits = log(probs / probs.sum())
    logits = jnp.log(probs / jnp.sum(probs))
    lp = jnp.take(logits, x, axis=0)  # gather: shape [B, 1, 1]
    return lp.reshape(lp.shape[0], -1).sum(axis=1)  # [B]

if __name__ == "__main__":
    import jax
    _d = setup_inputs()
    print(jax.jit(kernel)(*tuple(_d.values())))

</pallas_src>

<mosaic_0001>
#map = affine_map<(d0, d1) -> (0)>
module attributes {stable_mosaic.version = 14 : i64} {
  func.func @k(%arg0: i32, %arg1: i32, %arg2: memref<1000000xf32, #tpu.memory_space<hbm>>, %arg3: memref<16384xi32, #tpu.memory_space<hbm>>, %arg4: memref<16384xf32, #tpu.memory_space<hbm>>, %arg5: memref<512xf32, #tpu.memory_space<hbm>>, %arg6: memref<512xi32, #tpu.memory_space<vmem>>, %arg7: memref<512xf32, #tpu.memory_space<vmem>>, %arg8: memref<31248xf32, #tpu.memory_space<vmem>>, %arg9: memref<64xf32, #tpu.memory_space<vmem>>, %arg10: memref<16xf32, #tpu.memory_space<vmem>>, %arg11: memref<!tpu.dma_semaphore, #tpu.memory_space<semaphore_mem>>, %arg12: memref<2x!tpu.dma_semaphore, #tpu.memory_space<semaphore_mem>>) attributes {dimension_semantics = [#tpu.dimension_semantics<core_parallel>, #tpu.dimension_semantics<subcore_parallel>], iteration_bounds = array<i64: 2, 16>, scalar_prefetch = 0 : i64, scratch_operands = 7 : i64, tpu.core_type = #tpu.core_type<sc_vector_subcore>, window_params = [{transform_indices = #map}, {transform_indices = #map}, {transform_indices = #map}, {transform_indices = #map}]} {
    %mul3A = arith.constant 2 : i32
    %mul3A_0 = arith.muli %arg1, %mul3A : i32
    %add3A = arith.addi %mul3A_0, %arg0 : i32
    %mul3A_1 = arith.constant 512 : i32
    %mul3A_2 = arith.muli %add3A, %mul3A_1 : i32
    %mul3A_3 = arith.constant 31248 : i32
    %mul3A_4 = arith.muli %add3A, %mul3A_3 : i32
    %add3A_5 = arith.constant 0 : i32
    %add3A_6 = arith.addi %mul3A_4, %add3A_5 : i32
    %dma_start3A = arith.constant 0 : i32
    %dma_start3A_7 = arith.constant 0 : i32
    %dma_start3A_8 = tpu.memref_slice %arg8[%dma_start3A_7] : memref<31248xf32, #tpu.memory_space<vmem>> -> memref<15616xf32, #tpu.memory_space<vmem>>
    %dma_start3A_9 = tpu.memref_slice %arg2[%add3A_6] : memref<1000000xf32, #tpu.memory_space<hbm>> -> memref<15616xf32, #tpu.memory_space<hbm>>
    %dma_start3A_10 = tpu.memref_slice %arg12[%dma_start3A] : memref<2x!tpu.dma_semaphore, #tpu.memory_space<semaphore_mem>> -> memref<1x!tpu.dma_semaphore, #tpu.memory_space<semaphore_mem>>
    %dma_start3A_11 = tpu.memref_squeeze %dma_start3A_10 : memref<1x!tpu.dma_semaphore, #tpu.memory_space<semaphore_mem>> -> memref<!tpu.dma_semaphore, #tpu.memory_space<semaphore_mem>>
    %dma_start3A_12 = arith.constant 0 : i32
    %dma_start3A_13 = tpu.memref_slice %arg8[%dma_start3A_12] : memref<31248xf32, #tpu.memory_space<vmem>> -> memref<15616xf32, #tpu.memory_space<vmem>>
    %dma_start3A_14 = tpu.memref_slice %arg2[%add3A_6] : memref<1000000xf32, #tpu.memory_space<hbm>> -> memref<15616xf32, #tpu.memory_space<hbm>>
    tpu.enqueue_dma source(%dma_start3A_14 : memref<15616xf32, #tpu.memory_space<hbm>>) target(%dma_start3A_13 : memref<15616xf32, #tpu.memory_space<vmem>>) target_semaphore(%dma_start3A_11 : memref<!tpu.dma_semaphore, #tpu.memory_space<semaphore_mem>>)
    %add3A_15 = arith.constant 15616 : i32
    %add3A_16 = arith.addi %mul3A_4, %add3A_15 : i32
    %dma_start3A_17 = arith.constant 1 : i32
    %dma_start3A_18 = arith.constant 15616 : i32
    %dma_start3A_19 = tpu.memref_slice %arg8[%dma_start3A_18] : memref<31248xf32, #tpu.memory_space<vmem>> -> memref<15616xf32, #tpu.memory_space<vmem>>
    %dma_start3A_20 = tpu.memref_slice %arg2[%add3A_16] : memref<1000000xf32, #tpu.memory_space<hbm>> -> memref<15616xf32, #tpu.memory_space<hbm>>
    %dma_start3A_21 = tpu.memref_slice %arg12[%dma_start3A_17] : memref<2x!tpu.dma_semaphore, #tpu.memory_space<semaphore_mem>> -> memref<1x!tpu.dma_semaphore, #tpu.memory_space<semaphore_mem>>
    %dma_start3A_22 = tpu.memref_squeeze %dma_start3A_21 : memref<1x!tpu.dma_semaphore, #tpu.memory_space<semaphore_mem>> -> memref<!tpu.dma_semaphore, #tpu.memory_space<semaphore_mem>>
    %dma_start3A_23 = arith.constant 15616 : i32
    %dma_start3A_24 = tpu.memref_slice %arg8[%dma_start3A_23] : memref<31248xf32, #tpu.memory_space<vmem>> -> memref<15616xf32, #tpu.memory_space<vmem>>
    %dma_start3A_25 = tpu.memref_slice %arg2[%add3A_16] : memref<1000000xf32, #tpu.memory_space<hbm>> -> memref<15616xf32, #tpu.memory_space<hbm>>
    tpu.enqueue_dma source(%dma_start3A_25 : memref<15616xf32, #tpu.memory_space<hbm>>) target(%dma_start3A_24 : memref<15616xf32, #tpu.memory_space<vmem>>) target_semaphore(%dma_start3A_22 : memref<!tpu.dma_semaphore, #tpu.memory_space<semaphore_mem>>)
    %add3A_26 = arith.constant 31232 : i32
    %add3A_27 = arith.addi %mul3A_4, %add3A_26 : i32
    %dma_start3A_28 = arith.constant 31232 : i32
    %dma_start3A_29 = tpu.memref_slice %arg8[%dma_start3A_28] : memref<31248xf32, #tpu.memory_space<vmem>> -> memref<16xf32, #tpu.memory_space<vmem>>
    %dma_start3A_30 = tpu.memref_slice %arg2[%add3A_27] : memref<1000000xf32, #tpu.memory_space<hbm>> -> memref<16xf32, #tpu.memory_space<hbm>>
    %dma_start3A_31 = arith.constant 31232 : i32
    %dma_start3A_32 = tpu.memref_slice %arg8[%dma_start3A_31] : memref<31248xf32, #tpu.memory_space<vmem>> -> memref<16xf32, #tpu.memory_space<vmem>>
    %dma_start3A_33 = tpu.memref_slice %arg2[%add3A_27] : memref<1000000xf32, #tpu.memory_space<hbm>> -> memref<16xf32, #tpu.memory_space<hbm>>
    tpu.enqueue_dma source(%dma_start3A_33 : memref<16xf32, #tpu.memory_space<hbm>>) target(%dma_start3A_32 : memref<16xf32, #tpu.memory_space<vmem>>) target_semaphore(%arg11 : memref<!tpu.dma_semaphore, #tpu.memory_space<semaphore_mem>>)
    "tpu.region"() ({
      %run_scoped3A = tpu.sem_alloc : memref<!tpu.dma_semaphore, #tpu.memory_space<semaphore_mem>>
      %dma_start3A_134 = tpu.memref_slice %arg3[%mul3A_2] : memref<16384xi32, #tpu.memory_space<hbm>> -> memref<512xi32, #tpu.memory_space<hbm>>
      %dma_start3A_135 = tpu.memref_slice %arg3[%mul3A_2] : memref<16384xi32, #tpu.memory_space<hbm>> -> memref<512xi32, #tpu.memory_space<hbm>>
      tpu.enqueue_dma source(%dma_start3A_135 : memref<512xi32, #tpu.memory_space<hbm>>) target(%arg6 : memref<512xi32, #tpu.memory_space<vmem>>) target_semaphore(%run_scoped3A : memref<!tpu.dma_semaphore, #tpu.memory_space<semaphore_mem>>)
      %dma_wait3A_136 = tpu.memref_slice %arg3[%mul3A_2] : memref<16384xi32, #tpu.memory_space<hbm>> -> memref<512xi32, #tpu.memory_space<hbm>>
      %dma_wait3A_137 = tpu.memref_slice %arg3[%mul3A_2] : memref<16384xi32, #tpu.memory_space<hbm>> -> memref<512xi32, #tpu.memory_space<hbm>>
      tpu.wait_dma2 semaphore(%run_scoped3A : memref<!tpu.dma_semaphore, #tpu.memory_space<semaphore_mem>>) src(%dma_wait3A_137 : memref<512xi32, #tpu.memory_space<hbm>>) dst(%arg6 : memref<512xi32, #tpu.memory_space<vmem>>)
      tpu.yield
    }) : () -> ()
    %dma_start3A_34 = arith.constant 0 : i32
    %dma_start3A_35 = tpu.memref_slice %arg7[%dma_start3A_34] : memref<512xf32, #tpu.memory_space<vmem>> -> memref<128xf32, #tpu.memory_space<vmem>>
    %dma_start3A_36 = arith.constant 0 : i32
    %dma_start3A_37 = tpu.memref_slice %arg6[%dma_start3A_36] : memref<512xi32, #tpu.memory_space<vmem>> -> memref<128xi32, #tpu.memory_space<vmem>>
    %dma_start3A_38 = arith.constant 0 : i32
    %dma_start3A_39 = tpu.memref_slice %arg2[%dma_start3A_38] : memref<1000000xf32, #tpu.memory_space<hbm>> -> memref<1000000xf32, #tpu.memory_space<hbm>>
    tpu.enqueue_indirect_dma source(%dma_start3A_39 : memref<1000000xf32, #tpu.memory_space<hbm>>) target(%dma_start3A_35 : memref<128xf32, #tpu.memory_space<vmem>>) offsets(%dma_start3A_37 : memref<128xi32, #tpu.memory_space<vmem>>) semaphore(%arg11 : memref<!tpu.dma_semaphore, #tpu.memory_space<semaphore_mem>>)
    %dma_start3A_40 = arith.constant 128 : i32
    %dma_start3A_41 = tpu.memref_slice %arg7[%dma_start3A_40] : memref<512xf32, #tpu.memory_space<vmem>> -> memref<128xf32, #tpu.memory_space<vmem>>
    %dma_start3A_42 = arith.constant 128 : i32
    %dma_start3A_43 = tpu.memref_slice %arg6[%dma_start3A_42] : memref<512xi32, #tpu.memory_space<vmem>> -> memref<128xi32, #tpu.memory_space<vmem>>
    %dma_start3A_44 = arith.constant 0 : i32
    %dma_start3A_45 = tpu.memref_slice %arg2[%dma_start3A_44] : memref<1000000xf32, #tpu.memory_space<hbm>> -> memref<1000000xf32, #tpu.memory_space<hbm>>
    tpu.enqueue_indirect_dma source(%dma_start3A_45 : memref<1000000xf32, #tpu.memory_space<hbm>>) target(%dma_start3A_41 : memref<128xf32, #tpu.memory_space<vmem>>) offsets(%dma_start3A_43 : memref<128xi32, #tpu.memory_space<vmem>>) semaphore(%arg11 : memref<!tpu.dma_semaphore, #tpu.memory_space<semaphore_mem>>)
    %dma_start3A_46 = arith.constant 256 : i32
    %dma_start3A_47 = tpu.memref_slice %arg7[%dma_start3A_46] : memref<512xf32, #tpu.memory_space<vmem>> -> memref<128xf32, #tpu.memory_space<vmem>>
    %dma_start3A_48 = arith.constant 256 : i32
    %dma_start3A_49 = tpu.memref_slice %arg6[%dma_start3A_48] : memref<512xi32, #tpu.memory_space<vmem>> -> memref<128xi32, #tpu.memory_space<vmem>>
    %dma_start3A_50 = arith.constant 0 : i32
    %dma_start3A_51 = tpu.memref_slice %arg2[%dma_start3A_50] : memref<1000000xf32, #tpu.memory_space<hbm>> -> memref<1000000xf32, #tpu.memory_space<hbm>>
    tpu.enqueue_indirect_dma source(%dma_start3A_51 : memref<1000000xf32, #tpu.memory_space<hbm>>) target(%dma_start3A_47 : memref<128xf32, #tpu.memory_space<vmem>>) offsets(%dma_start3A_49 : memref<128xi32, #tpu.memory_space<vmem>>) semaphore(%arg11 : memref<!tpu.dma_semaphore, #tpu.memory_space<semaphore_mem>>)
    %dma_start3A_52 = arith.constant 384 : i32
    %dma_start3A_53 = tpu.memref_slice %arg7[%dma_start3A_52] : memref<512xf32, #tpu.memory_space<vmem>> -> memref<128xf32, #tpu.memory_space<vmem>>
    %dma_start3A_54 = arith.constant 384 : i32
    %dma_start3A_55 = tpu.memref_slice %arg6[%dma_start3A_54] : memref<512xi32, #tpu.memory_space<vmem>> -> memref<128xi32, #tpu.memory_space<vmem>>
    %dma_start3A_56 = arith.constant 0 : i32
    %dma_start3A_57 = tpu.memref_slice %arg2[%dma_start3A_56] : memref<1000000xf32, #tpu.memory_space<hbm>> -> memref<1000000xf32, #tpu.memory_space<hbm>>
    tpu.enqueue_indirect_dma source(%dma_start3A_57 : memref<1000000xf32, #tpu.memory_space<hbm>>) target(%dma_start3A_53 : memref<128xf32, #tpu.memory_space<vmem>>) offsets(%dma_start3A_55 : memref<128xi32, #tpu.memory_space<vmem>>) semaphore(%arg11 : memref<!tpu.dma_semaphore, #tpu.memory_space<semaphore_mem>>)
    %broadcast_in_dim3A = arith.constant 0.000000e+00 : f32
    %broadcast_in_dim3A_58 = vector.broadcast %broadcast_in_dim3A : f32 to vector<16xf32>
    %dma_wait3A = arith.constant 0 : i32
    %dma_wait3A_59 = arith.constant 0 : i32
    %dma_wait3A_60 = tpu.memref_slice %arg8[%dma_wait3A_59] : memref<31248xf32, #tpu.memory_space<vmem>> -> memref<15616xf32, #tpu.memory_space<vmem>>
    %dma_wait3A_61 = tpu.memref_slice %arg2[%add3A_6] : memref<1000000xf32, #tpu.memory_space<hbm>> -> memref<15616xf32, #tpu.memory_space<hbm>>
    %dma_wait3A_62 = tpu.memref_slice %arg12[%dma_wait3A] : memref<2x!tpu.dma_semaphore, #tpu.memory_space<semaphore_mem>> -> memref<1x!tpu.dma_semaphore, #tpu.memory_space<semaphore_mem>>
    %dma_wait3A_63 = tpu.memref_squeeze %dma_wait3A_62 : memref<1x!tpu.dma_semaphore, #tpu.memory_space<semaphore_mem>> -> memref<!tpu.dma_semaphore, #tpu.memory_space<semaphore_mem>>
    %dma_wait3A_64 = arith.constant 0 : i32
    %dma_wait3A_65 = tpu.memref_slice %arg8[%dma_wait3A_64] : memref<31248xf32, #tpu.memory_space<vmem>> -> memref<15616xf32, #tpu.memory_space<vmem>>
    %dma_wait3A_66 = tpu.memref_slice %arg2[%add3A_6] : memref<1000000xf32, #tpu.memory_space<hbm>> -> memref<15616xf32, #tpu.memory_space<hbm>>
    tpu.wait_dma2 semaphore(%dma_wait3A_63 : memref<!tpu.dma_semaphore, #tpu.memory_space<semaphore_mem>>) src(%dma_wait3A_66 : memref<15616xf32, #tpu.memory_space<hbm>>) dst(%dma_wait3A_65 : memref<15616xf32, #tpu.memory_space<vmem>>)
    %scan3A = arith.constant 0 : i32
    %scan3A_67 = arith.constant 122 : i32
    %scan3A_68 = arith.addi %scan3A, %scan3A_67 : i32
    %scan3A_69 = arith.constant 1 : i32
    %scan3A_70:8 = scf.for %scan3A_134 = %scan3A to %scan3A_68 step %scan3A_69 iter_args(%scan3A_135 = %broadcast_in_dim3A_58, %scan3A_136 = %broadcast_in_dim3A_58, %scan3A_137 = %broadcast_in_dim3A_58, %scan3A_138 = %broadcast_in_dim3A_58, %scan3A_139 = %broadcast_in_dim3A_58, %scan3A_140 = %broadcast_in_dim3A_58, %scan3A_141 = %broadcast_in_dim3A_58, %scan3A_142 = %broadcast_in_dim3A_58) -> (vector<16xf32>, vector<16xf32>, vector<16xf32>, vector<16xf32>, vector<16xf32>, vector<16xf32>, vector<16xf32>, vector<16xf32>)  : i32 {
      %mul3A_143 = arith.constant 128 : i32
      %mul3A_144 = arith.muli %scan3A_134, %mul3A_143 : i32
      %add3A_145 = arith.constant 0 : i32
      %add3A_146 = arith.addi %add3A_145, %mul3A_144 : i32
      %add3A_147 = arith.constant 0 : i32
      %add3A_148 = arith.addi %add3A_146, %add3A_147 : i32
      %get3A_149 = arith.index_cast %add3A_148 : i32 to index
      %get3A_150 = tpu.vector_load %arg8[%get3A_149] {strides = array<i32>} : memref<31248xf32, #tpu.memory_space<vmem>>, vector<16xf32>,
      %get3A_151 = vector.shape_cast %get3A_150 : vector<16xf32> to vector<16xf32>
      %add3A_152 = arith.addf %scan3A_135, %get3A_151 : vector<16xf32>
      %add3A_153 = arith.constant 16 : i32
      %add3A_154 = arith.addi %add3A_146, %add3A_153 : i32
      %get3A_155 = arith.index_cast %add3A_154 : i32 to index
      %get3A_156 = tpu.vector_load %arg8[%get3A_155] {strides = array<i32>} : memref<31248xf32, #tpu.memory_space<vmem>>, vector<16xf32>,
      %get3A_157 = vector.shape_cast %get3A_156 : vector<16xf32> to vector<16xf32>
      %add3A_158 = arith.addf %scan3A_136, %get3A_157 : vector<16xf32>
      %add3A_159 = arith.constant 32 : i32
      %add3A_160 = arith.addi %add3A_146, %add3A_159 : i32
      %get3A_161 = arith.index_cast %add3A_160 : i32 to index
      %get3A_162 = tpu.vector_load %arg8[%get3A_161] {strides = array<i32>} : memref<31248xf32, #tpu.memory_space<vmem>>, vector<16xf32>,
      %get3A_163 = vector.shape_cast %get3A_162 : vector<16xf32> to vector<16xf32>
      %add3A_164 = arith.addf %scan3A_137, %get3A_163 : vector<16xf32>
      %add3A_165 = arith.constant 48 : i32
      %add3A_166 = arith.addi %add3A_146, %add3A_165 : i32
      %get3A_167 = arith.index_cast %add3A_166 : i32 to index
      %get3A_168 = tpu.vector_load %arg8[%get3A_167] {strides = array<i32>} : memref<31248xf32, #tpu.memory_space<vmem>>, vector<16xf32>,
      %get3A_169 = vector.shape_cast %get3A_168 : vector<16xf32> to vector<16xf32>
      %add3A_170 = arith.addf %scan3A_138, %get3A_169 : vector<16xf32>
      %add3A_171 = arith.constant 64 : i32
      %add3A_172 = arith.addi %add3A_146, %add3A_171 : i32
      %get3A_173 = arith.index_cast %add3A_172 : i32 to index
      %get3A_174 = tpu.vector_load %arg8[%get3A_173] {strides = array<i32>} : memref<31248xf32, #tpu.memory_space<vmem>>, vector<16xf32>,
      %get3A_175 = vector.shape_cast %get3A_174 : vector<16xf32> to vector<16xf32>
      %add3A_176 = arith.addf %scan3A_139, %get3A_175 : vector<16xf32>
      %add3A_177 = arith.constant 80 : i32
      %add3A_178 = arith.addi %add3A_146, %add3A_177 : i32
      %get3A_179 = arith.index_cast %add3A_178 : i32 to index
      %get3A_180 = tpu.vector_load %arg8[%get3A_179] {strides = array<i32>} : memref<31248xf32, #tpu.memory_space<vmem>>, vector<16xf32>,
      %get3A_181 = vector.shape_cast %get3A_180 : vector<16xf32> to vector<16xf32>
      %add3A_182 = arith.addf %scan3A_140, %get3A_181 : vector<16xf32>
      %add3A_183 = arith.constant 96 : i32
      %add3A_184 = arith.addi %add3A_146, %add3A_183 : i32
      %get3A_185 = arith.index_cast %add3A_184 : i32 to index
      %get3A_186 = tpu.vector_load %arg8[%get3A_185] {strides = array<i32>} : memref<31248xf32, #tpu.memory_space<vmem>>, vector<16xf32>,
      %get3A_187 = vector.shape_cast %get3A_186 : vector<16xf32> to vector<16xf32>
      %add3A_188 = arith.addf %scan3A_141, %get3A_187 : vector<16xf32>
      %add3A_189 = arith.constant 112 : i32
      %add3A_190 = arith.addi %add3A_146, %add3A_189 : i32
      %get3A_191 = arith.index_cast %add3A_190 : i32 to index
      %get3A_192 = tpu.vector_load %arg8[%get3A_191] {strides = array<i32>} : memref<31248xf32, #tpu.memory_space<vmem>>, vector<16xf32>,
      %get3A_193 = vector.shape_cast %get3A_192 : vector<16xf32> to vector<16xf32>
      %add3A_194 = arith.addf %scan3A_142, %get3A_193 : vector<16xf32>
      scf.yield %add3A_152, %add3A_158, %add3A_164, %add3A_170, %add3A_176, %add3A_182, %add3A_188, %add3A_194 : vector<16xf32>, vector<16xf32>, vector<16xf32>, vector<16xf32>, vector<16xf32>, vector<16xf32>, vector<16xf32>, vector<16xf32>
    }
    %scan3A_71 = arith.constant 122 : i32
    %dma_wait3A_72 = arith.constant 1 : i32
    %dma_wait3A_73 = arith.constant 15616 : i32
    %dma_wait3A_74 = tpu.memref_slice %arg8[%dma_wait3A_73] : memref<31248xf32, #tpu.memory_space<vmem>> -> memref<15616xf32, #tpu.memory_space<vmem>>
    %dma_wait3A_75 = tpu.memref_slice %arg2[%add3A_16] : memref<1000000xf32, #tpu.memory_space<hbm>> -> memref<15616xf32, #tpu.memory_space<hbm>>
    %dma_wait3A_76 = tpu.memref_slice %arg12[%dma_wait3A_72] : memref<2x!tpu.dma_semaphore, #tpu.memory_space<semaphore_mem>> -> memref<1x!tpu.dma_semaphore, #tpu.memory_space<semaphore_mem>>
    %dma_wait3A_77 = tpu.memref_squeeze %dma_wait3A_76 : memref<1x!tpu.dma_semaphore, #tpu.memory_space<semaphore_mem>> -> memref<!tpu.dma_semaphore, #tpu.memory_space<semaphore_mem>>
    %dma_wait3A_78 = arith.constant 15616 : i32
    %dma_wait3A_79 = tpu.memref_slice %arg8[%dma_wait3A_78] : memref<31248xf32, #tpu.memory_space<vmem>> -> memref<15616xf32, #tpu.memory_space<vmem>>
    %dma_wait3A_80 = tpu.memref_slice %arg2[%add3A_16] : memref<1000000xf32, #tpu.memory_space<hbm>> -> memref<15616xf32, #tpu.memory_space<hbm>>
    tpu.wait_dma2 semaphore(%dma_wait3A_77 : memref<!tpu.dma_semaphore, #tpu.memory_space<semaphore_mem>>) src(%dma_wait3A_80 : memref<15616xf32, #tpu.memory_space<hbm>>) dst(%dma_wait3A_79 : memref<15616xf32, #tpu.memory_space<vmem>>)
    %scan3A_81 = arith.constant 0 : i32
    %scan3A_82 = arith.constant 122 : i32
    %scan3A_83 = arith.addi %scan3A_81, %scan3A_82 : i32
    %scan3A_84 = arith.constant 1 : i32
    %scan3A_85:8 = scf.for %scan3A_134 = %scan3A_81 to %scan3A_83 step %scan3A_84 iter_args(%scan3A_135 = %scan3A_70#0, %scan3A_136 = %scan3A_70#1, %scan3A_137 = %scan3A_70#2, %scan3A_138 = %scan3A_70#3, %scan3A_139 = %scan3A_70#4, %scan3A_140 = %scan3A_70#5, %scan3A_141 = %scan3A_70#6, %scan3A_142 = %scan3A_70#7) -> (vector<16xf32>, vector<16xf32>, vector<16xf32>, vector<16xf32>, vector<16xf32>, vector<16xf32>, vector<16xf32>, vector<16xf32>)  : i32 {
      %mul3A_143 = arith.constant 128 : i32
      %mul3A_144 = arith.muli %scan3A_134, %mul3A_143 : i32
      %add3A_145 = arith.constant 15616 : i32
      %add3A_146 = arith.addi %add3A_145, %mul3A_144 : i32
      %add3A_147 = arith.constant 0 : i32
      %add3A_148 = arith.addi %add3A_146, %add3A_147 : i32
      %get3A_149 = arith.index_cast %add3A_148 : i32 to index
      %get3A_150 = tpu.vector_load %arg8[%get3A_149] {strides = array<i32>} : memref<31248xf32, #tpu.memory_space<vmem>>, vector<16xf32>,
      %get3A_151 = vector.shape_cast %get3A_150 : vector<16xf32> to vector<16xf32>
      %add3A_152 = arith.addf %scan3A_135, %get3A_151 : vector<16xf32>
      %add3A_153 = arith.constant 16 : i32
      %add3A_154 = arith.addi %add3A_146, %add3A_153 : i32
      %get3A_155 = arith.index_cast %add3A_154 : i32 to index
      %get3A_156 = tpu.vector_load %arg8[%get3A_155] {strides = array<i32>} : memref<31248xf32, #tpu.memory_space<vmem>>, vector<16xf32>,
      %get3A_157 = vector.shape_cast %get3A_156 : vector<16xf32> to vector<16xf32>
      %add3A_158 = arith.addf %scan3A_136, %get3A_157 : vector<16xf32>
      %add3A_159 = arith.constant 32 : i32
      %add3A_160 = arith.addi %add3A_146, %add3A_159 : i32
      %get3A_161 = arith.index_cast %add3A_160 : i32 to index
      %get3A_162 = tpu.vector_load %arg8[%get3A_161] {strides = array<i32>} : memref<31248xf32, #tpu.memory_space<vmem>>, vector<16xf32>,
      %get3A_163 = vector.shape_cast %get3A_162 : vector<16xf32> to vector<16xf32>
      %add3A_164 = arith.addf %scan3A_137, %get3A_163 : vector<16xf32>
      %add3A_165 = arith.constant 48 : i32
      %add3A_166 = arith.addi %add3A_146, %add3A_165 : i32
      %get3A_167 = arith.index_cast %add3A_166 : i32 to index
      %get3A_168 = tpu.vector_load %arg8[%get3A_167] {strides = array<i32>} : memref<31248xf32, #tpu.memory_space<vmem>>, vector<16xf32>,
      %get3A_169 = vector.shape_cast %get3A_168 : vector<16xf32> to vector<16xf32>
      %add3A_170 = arith.addf %scan3A_138, %get3A_169 : vector<16xf32>
      %add3A_171 = arith.constant 64 : i32
      %add3A_172 = arith.addi %add3A_146, %add3A_171 : i32
      %get3A_173 = arith.index_cast %add3A_172 : i32 to index
      %get3A_174 = tpu.vector_load %arg8[%get3A_173] {strides = array<i32>} : memref<31248xf32, #tpu.memory_space<vmem>>, vector<16xf32>,
      %get3A_175 = vector.shape_cast %get3A_174 : vector<16xf32> to vector<16xf32>
      %add3A_176 = arith.addf %scan3A_139, %get3A_175 : vector<16xf32>
      %add3A_177 = arith.constant 80 : i32
      %add3A_178 = arith.addi %add3A_146, %add3A_177 : i32
      %get3A_179 = arith.index_cast %add3A_178 : i32 to index
      %get3A_180 = tpu.vector_load %arg8[%get3A_179] {strides = array<i32>} : memref<31248xf32, #tpu.memory_space<vmem>>, vector<16xf32>,
      %get3A_181 = vector.shape_cast %get3A_180 : vector<16xf32> to vector<16xf32>
      %add3A_182 = arith.addf %scan3A_140, %get3A_181 : vector<16xf32>
      %add3A_183 = arith.constant 96 : i32
      %add3A_184 = arith.addi %add3A_146, %add3A_183 : i32
      %get3A_185 = arith.index_cast %add3A_184 : i32 to index
      %get3A_186 = tpu.vector_load %arg8[%get3A_185] {strides = array<i32>} : memref<31248xf32, #tpu.memory_space<vmem>>, vector<16xf32>,
      %get3A_187 = vector.shape_cast %get3A_186 : vector<16xf32> to vector<16xf32>
      %add3A_188 = arith.addf %scan3A_141, %get3A_187 : vector<16xf32>
      %add3A_189 = arith.constant 112 : i32
      %add3A_190 = arith.addi %add3A_146, %add3A_189 : i32
      %get3A_191 = arith.index_cast %add3A_190 : i32 to index
      %get3A_192 = tpu.vector_load %arg8[%get3A_191] {strides = array<i32>} : memref<31248xf32, #tpu.memory_space<vmem>>, vector<16xf32>,
      %get3A_193 = vector.shape_cast %get3A_192 : vector<16xf32> to vector<16xf32>
      %add3A_194 = arith.addf %scan3A_142, %get3A_193 : vector<16xf32>
      scf.yield %add3A_152, %add3A_158, %add3A_164, %add3A_170, %add3A_176, %add3A_182, %add3A_188, %add3A_194 : vector<16xf32>, vector<16xf32>, vector<16xf32>, vector<16xf32>, vector<16xf32>, vector<16xf32>, vector<16xf32>, vector<16xf32>
    }
    %scan3A_86 = arith.constant 122 : i32
    %add3A_87 = arith.addf %scan3A_85#0, %scan3A_85#1 : vector<16xf32>
    %add3A_88 = arith.addf %add3A_87, %scan3A_85#2 : vector<16xf32>
    %add3A_89 = arith.addf %add3A_88, %scan3A_85#3 : vector<16xf32>
    %add3A_90 = arith.addf %add3A_89, %scan3A_85#4 : vector<16xf32>
    %add3A_91 = arith.addf %add3A_90, %scan3A_85#5 : vector<16xf32>
    %add3A_92 = arith.addf %add3A_91, %scan3A_85#6 : vector<16xf32>
    %add3A_93 = arith.addf %add3A_92, %scan3A_85#7 : vector<16xf32>
    %dma_wait3A_94 = arith.constant 31232 : i32
    %dma_wait3A_95 = tpu.memref_slice %arg8[%dma_wait3A_94] : memref<31248xf32, #tpu.memory_space<vmem>> -> memref<16xf32, #tpu.memory_space<vmem>>
    %dma_wait3A_96 = tpu.memref_slice %arg2[%add3A_27] : memref<1000000xf32, #tpu.memory_space<hbm>> -> memref<16xf32, #tpu.memory_space<hbm>>
    %dma_wait3A_97 = arith.constant 31232 : i32
    %dma_wait3A_98 = tpu.memref_slice %arg8[%dma_wait3A_97] : memref<31248xf32, #tpu.memory_space<vmem>> -> memref<16xf32, #tpu.memory_space<vmem>>
    %dma_wait3A_99 = tpu.memref_slice %arg2[%add3A_27] : memref<1000000xf32, #tpu.memory_space<hbm>> -> memref<16xf32, #tpu.memory_space<hbm>>
    tpu.wait_dma2 semaphore(%arg11 : memref<!tpu.dma_semaphore, #tpu.memory_space<semaphore_mem>>) src(%dma_wait3A_99 : memref<16xf32, #tpu.memory_space<hbm>>) dst(%dma_wait3A_98 : memref<16xf32, #tpu.memory_space<vmem>>)
    %get3A = arith.constant 31232 : index
    %get3A_100 = tpu.vector_load %arg8[%get3A] {strides = array<i32>} : memref<31248xf32, #tpu.memory_space<vmem>>, vector<16xf32>,
    %get3A_101 = vector.shape_cast %get3A_100 : vector<16xf32> to vector<16xf32>
    %add3A_102 = arith.addf %add3A_93, %get3A_101 : vector<16xf32>
    %swap3A = arith.constant 0 : index
    %swap3A_103 = tpu.vector_load %arg10[%swap3A] {strides = array<i32>} : memref<16xf32, #tpu.memory_space<vmem>>, vector<16xf32>,
    %swap3A_104 = vector.shape_cast %swap3A_103 : vector<16xf32> to vector<16xf32>
    %swap3A_105 = vector.shape_cast %add3A_102 : vector<16xf32> to vector<16xf32>
    tpu.vector_store %arg10[%swap3A], %swap3A_105 {strides = array<i32>} : memref<16xf32, #tpu.memory_space<vmem>>, vector<16xf32>,
    %eq3A = arith.constant 0 : i32
    %eq3A_106 = arith.cmpi eq, %add3A, %eq3A : i32
    %convert_element_type3A = arith.extui %eq3A_106 : i1 to i32
    %cond3A = arith.constant 0 : i32
    %cond3A_107 = arith.cmpi ne, %convert_element_type3A, %cond3A : i32
    scf.if %cond3A_107 {
      "tpu.region"() ({
        %run_scoped3A = tpu.sem_alloc : memref<!tpu.dma_semaphore, #tpu.memory_space<semaphore_mem>>
        %dma_start3A_157 = arith.constant 999936 : i32
        %dma_start3A_158 = tpu.memref_slice %arg2[%dma_start3A_157] : memref<1000000xf32, #tpu.memory_space<hbm>> -> memref<64xf32, #tpu.memory_space<hbm>>
        %dma_start3A_159 = arith.constant 999936 : i32
        %dma_start3A_160 = tpu.memref_slice %arg2[%dma_start3A_159] : memref<1000000xf32, #tpu.memory_space<hbm>> -> memref<64xf32, #tpu.memory_space<hbm>>
        tpu.enqueue_dma source(%dma_start3A_160 : memref<64xf32, #tpu.memory_space<hbm>>) target(%arg9 : memref<64xf32, #tpu.memory_space<vmem>>) target_semaphore(%run_scoped3A : memref<!tpu.dma_semaphore, #tpu.memory_space<semaphore_mem>>)
        %dma_wait3A_161 = arith.constant 999936 : i32
        %dma_wait3A_162 = tpu.memref_slice %arg2[%dma_wait3A_161] : memref<1000000xf32, #tpu.memory_space<hbm>> -> memref<64xf32, #tpu.memory_space<hbm>>
        %dma_wait3A_163 = arith.constant 999936 : i32
        %dma_wait3A_164 = tpu.memref_slice %arg2[%dma_wait3A_163] : memref<1000000xf32, #tpu.memory_space<hbm>> -> memref<64xf32, #tpu.memory_space<hbm>>
        tpu.wait_dma2 semaphore(%run_scoped3A : memref<!tpu.dma_semaphore, #tpu.memory_space<semaphore_mem>>) src(%dma_wait3A_164 : memref<64xf32, #tpu.memory_space<hbm>>) dst(%arg9 : memref<64xf32, #tpu.memory_space<vmem>>)
        tpu.yield
      }) : () -> ()
      %broadcast_in_dim3A_134 = arith.constant 0.000000e+00 : f32
      %broadcast_in_dim3A_135 = vector.broadcast %broadcast_in_dim3A_134 : f32 to vector<16xf32>
      %get3A_136 = arith.constant 0 : index
      %get3A_137 = tpu.vector_load %arg9[%get3A_136] {strides = array<i32>} : memref<64xf32, #tpu.memory_space<vmem>>, vector<16xf32>,
      %get3A_138 = vector.shape_cast %get3A_137 : vector<16xf32> to vector<16xf32>
      %add3A_139 = arith.addf %broadcast_in_dim3A_135, %get3A_138 : vector<16xf32>
      %get3A_140 = arith.constant 16 : index
      %get3A_141 = tpu.vector_load %arg9[%get3A_140] {strides = array<i32>} : memref<64xf32, #tpu.memory_space<vmem>>, vector<16xf32>,
      %get3A_142 = vector.shape_cast %get3A_141 : vector<16xf32> to vector<16xf32>
      %add3A_143 = arith.addf %add3A_139, %get3A_142 : vector<16xf32>
      %get3A_144 = arith.constant 32 : index
      %get3A_145 = tpu.vector_load %arg9[%get3A_144] {strides = array<i32>} : memref<64xf32, #tpu.memory_space<vmem>>, vector<16xf32>,
      %get3A_146 = vector.shape_cast %get3A_145 : vector<16xf32> to vector<16xf32>
      %add3A_147 = arith.addf %add3A_143, %get3A_146 : vector<16xf32>
      %get3A_148 = arith.constant 48 : index
      %get3A_149 = tpu.vector_load %arg9[%get3A_148] {strides = array<i32>} : memref<64xf32, #tpu.memory_space<vmem>>, vector<16xf32>,
      %get3A_150 = vector.shape_cast %get3A_149 : vector<16xf32> to vector<16xf32>
      %add3A_151 = arith.addf %add3A_147, %get3A_150 : vector<16xf32>
      %add3A_152 = arith.addf %add3A_102, %add3A_151 : vector<16xf32>
      %swap3A_153 = arith.constant 0 : index
      %swap3A_154 = tpu.vector_load %arg10[%swap3A_153] {strides = array<i32>} : memref<16xf32, #tpu.memory_space<vmem>>, vector<16xf32>,
      %swap3A_155 = vector.shape_cast %swap3A_154 : vector<16xf32> to vector<16xf32>
      %swap3A_156 = vector.shape_cast %add3A_152 : vector<16xf32> to vector<16xf32>
      tpu.vector_store %arg10[%swap3A_153], %swap3A_156 {strides = array<i32>} : memref<16xf32, #tpu.memory_space<vmem>>, vector<16xf32>,
    } else {
    }
    %mul3A_108 = arith.constant 16 : i32
    %mul3A_109 = arith.muli %add3A, %mul3A_108 : i32
    "tpu.region"() ({
      %run_scoped3A = tpu.sem_alloc : memref<!tpu.dma_semaphore, #tpu.memory_space<semaphore_mem>>
      %dma_start3A_134 = tpu.memref_slice %arg5[%mul3A_109] : memref<512xf32, #tpu.memory_space<hbm>> -> memref<16xf32, #tpu.memory_space<hbm>>
      %dma_start3A_135 = tpu.memref_slice %arg5[%mul3A_109] : memref<512xf32, #tpu.memory_space<hbm>> -> memref<16xf32, #tpu.memory_space<hbm>>
      tpu.enqueue_dma source(%arg10 : memref<16xf32, #tpu.memory_space<vmem>>) target(%dma_start3A_135 : memref<16xf32, #tpu.memory_space<hbm>>) target_semaphore(%run_scoped3A : memref<!tpu.dma_semaphore, #tpu.memory_space<semaphore_mem>>)
      %dma_wait3A_136 = tpu.memref_slice %arg5[%mul3A_109] : memref<512xf32, #tpu.memory_space<hbm>> -> memref<16xf32, #tpu.memory_space<hbm>>
      %dma_wait3A_137 = tpu.memref_slice %arg5[%mul3A_109] : memref<512xf32, #tpu.memory_space<hbm>> -> memref<16xf32, #tpu.memory_space<hbm>>
      tpu.wait_dma2 semaphore(%run_scoped3A : memref<!tpu.dma_semaphore, #tpu.memory_space<semaphore_mem>>) src(%arg10 : memref<16xf32, #tpu.memory_space<vmem>>) dst(%dma_wait3A_137 : memref<16xf32, #tpu.memory_space<hbm>>)
      tpu.yield
    }) : () -> ()
    %dma_wait3A_110 = arith.constant 0 : i32
    %dma_wait3A_111 = tpu.memref_slice %arg7[%dma_wait3A_110] : memref<512xf32, #tpu.memory_space<vmem>> -> memref<128xf32, #tpu.memory_space<vmem>>
    %dma_wait3A_112 = arith.constant 0 : i32
    %dma_wait3A_113 = tpu.memref_slice %arg6[%dma_wait3A_112] : memref<512xi32, #tpu.memory_space<vmem>> -> memref<128xi32, #tpu.memory_space<vmem>>
    %dma_wait3A_114 = arith.constant 0 : i32
    %dma_wait3A_115 = tpu.memref_slice %arg2[%dma_wait3A_114] : memref<1000000xf32, #tpu.memory_space<hbm>> -> memref<1000000xf32, #tpu.memory_space<hbm>>
    tpu.wait_indirect_dma semaphore(%arg11 : memref<!tpu.dma_semaphore, #tpu.memory_space<semaphore_mem>>) src(%dma_wait3A_115 : memref<1000000xf32, #tpu.memory_space<hbm>>) dst(%dma_wait3A_111 : memref<128xf32, #tpu.memory_space<vmem>>)
    %dma_wait3A_116 = arith.constant 128 : i32
    %dma_wait3A_117 = tpu.memref_slice %arg7[%dma_wait3A_116] : memref<512xf32, #tpu.memory_space<vmem>> -> memref<128xf32, #tpu.memory_space<vmem>>
    %dma_wait3A_118 = arith.constant 128 : i32
    %dma_wait3A_119 = tpu.memref_slice %arg6[%dma_wait3A_118] : memref<512xi32, #tpu.memory_space<vmem>> -> memref<128xi32, #tpu.memory_space<vmem>>
    %dma_wait3A_120 = arith.constant 0 : i32
    %dma_wait3A_121 = tpu.memref_slice %arg2[%dma_wait3A_120] : memref<1000000xf32, #tpu.memory_space<hbm>> -> memref<1000000xf32, #tpu.memory_space<hbm>>
    tpu.wait_indirect_dma semaphore(%arg11 : memref<!tpu.dma_semaphore, #tpu.memory_space<semaphore_mem>>) src(%dma_wait3A_121 : memref<1000000xf32, #tpu.memory_space<hbm>>) dst(%dma_wait3A_117 : memref<128xf32, #tpu.memory_space<vmem>>)
    %dma_wait3A_122 = arith.constant 256 : i32
    %dma_wait3A_123 = tpu.memref_slice %arg7[%dma_wait3A_122] : memref<512xf32, #tpu.memory_space<vmem>> -> memref<128xf32, #tpu.memory_space<vmem>>
    %dma_wait3A_124 = arith.constant 256 : i32
    %dma_wait3A_125 = tpu.memref_slice %arg6[%dma_wait3A_124] : memref<512xi32, #tpu.memory_space<vmem>> -> memref<128xi32, #tpu.memory_space<vmem>>
    %dma_wait3A_126 = arith.constant 0 : i32
    %dma_wait3A_127 = tpu.memref_slice %arg2[%dma_wait3A_126] : memref<1000000xf32, #tpu.memory_space<hbm>> -> memref<1000000xf32, #tpu.memory_space<hbm>>
    tpu.wait_indirect_dma semaphore(%arg11 : memref<!tpu.dma_semaphore, #tpu.memory_space<semaphore_mem>>) src(%dma_wait3A_127 : memref<1000000xf32, #tpu.memory_space<hbm>>) dst(%dma_wait3A_123 : memref<128xf32, #tpu.memory_space<vmem>>)
    %dma_wait3A_128 = arith.constant 384 : i32
    %dma_wait3A_129 = tpu.memref_slice %arg7[%dma_wait3A_128] : memref<512xf32, #tpu.memory_space<vmem>> -> memref<128xf32, #tpu.memory_space<vmem>>
    %dma_wait3A_130 = arith.constant 384 : i32
    %dma_wait3A_131 = tpu.memref_slice %arg6[%dma_wait3A_130] : memref<512xi32, #tpu.memory_space<vmem>> -> memref<128xi32, #tpu.memory_space<vmem>>
    %dma_wait3A_132 = arith.constant 0 : i32
    %dma_wait3A_133 = tpu.memref_slice %arg2[%dma_wait3A_132] : memref<1000000xf32, #tpu.memory_space<hbm>> -> memref<1000000xf32, #tpu.memory_space<hbm>>
    tpu.wait_indirect_dma semaphore(%arg11 : memref<!tpu.dma_semaphore, #tpu.memory_space<semaphore_mem>>) src(%dma_wait3A_133 : memref<1000000xf32, #tpu.memory_space<hbm>>) dst(%dma_wait3A_129 : memref<128xf32, #tpu.memory_space<vmem>>)
    "tpu.region"() ({
      %run_scoped3A = tpu.sem_alloc : memref<!tpu.dma_semaphore, #tpu.memory_space<semaphore_mem>>
      %dma_start3A_134 = tpu.memref_slice %arg4[%mul3A_2] : memref<16384xf32, #tpu.memory_space<hbm>> -> memref<512xf32, #tpu.memory_space<hbm>>
      %dma_start3A_135 = tpu.memref_slice %arg4[%mul3A_2] : memref<16384xf32, #tpu.memory_space<hbm>> -> memref<512xf32, #tpu.memory_space<hbm>>
      tpu.enqueue_dma source(%arg7 : memref<512xf32, #tpu.memory_space<vmem>>) target(%dma_start3A_135 : memref<512xf32, #tpu.memory_space<hbm>>) target_semaphore(%run_scoped3A : memref<!tpu.dma_semaphore, #tpu.memory_space<semaphore_mem>>)
      %dma_wait3A_136 = tpu.memref_slice %arg4[%mul3A_2] : memref<16384xf32, #tpu.memory_space<hbm>> -> memref<512xf32, #tpu.memory_space<hbm>>
      %dma_wait3A_137 = tpu.memref_slice %arg4[%mul3A_2] : memref<16384xf32, #tpu.memory_space<hbm>> -> memref<512xf32, #tpu.memory_space<hbm>>
      tpu.wait_dma2 semaphore(%run_scoped3A : memref<!tpu.dma_semaphore, #tpu.memory_space<semaphore_mem>>) src(%arg7 : memref<512xf32, #tpu.memory_space<vmem>>) dst(%dma_wait3A_137 : memref<512xf32, #tpu.memory_space<hbm>>)
      tpu.yield
    }) : () -> ()
    return
  }
}

module attributes {stable_mosaic.version = 14 : i64} {
  func.func @_tc_body(%arg0: memref<16384xf32, #tpu.memory_space<vmem>>, %arg1: memref<512xf32, #tpu.memory_space<vmem>>, %arg2: memref<16384xf32, #tpu.memory_space<vmem>>) attributes {dimension_semantics = [], scalar_prefetch = 0 : i64, scratch_operands = 0 : i64, tpu.core_type = #tpu.core_type<tc>} {
    %get3A = arith.constant 0 : index
    %get3A_0 = vector.load %arg1[%get3A] : memref<512xf32, #tpu.memory_space<vmem>>, vector<512xf32>
    %reduce_sum3A = vector.shape_cast %get3A_0 : vector<512xf32> to vector<1x512xf32>
    %reduce_sum3A_1 = arith.constant dense<0.000000e+00> : vector<1xf32>
    %reduce_sum3A_2 = vector.multi_reduction <add>, %reduce_sum3A, %reduce_sum3A_1 [1] : vector<1x512xf32> to vector<1xf32>
    %reduce_sum3A_3 = vector.shape_cast %reduce_sum3A_2 : vector<1xf32> to vector<1x1xf32>
    %reduce_sum3A_4 = vector.extract %reduce_sum3A_3[0, 0] : f32 from vector<1x1xf32>
    %get3A_5 = arith.constant 0 : index
    %get3A_6 = vector.load %arg0[%get3A_5] : memref<16384xf32, #tpu.memory_space<vmem>>, vector<16384xf32>
    %log3A = math.log %get3A_6 : vector<16384xf32>
    %log3A_7 = math.log %reduce_sum3A_4 : f32
    %sub3A = vector.broadcast %log3A_7 : f32 to vector<16384xf32>
    %sub3A_8 = arith.subf %log3A, %sub3A : vector<16384xf32>
    %swap3A = arith.constant 0 : index
    %swap3A_9 = vector.load %arg2[%swap3A] : memref<16384xf32, #tpu.memory_space<vmem>>, vector<16384xf32>
    tpu.vector_store %arg2[%swap3A], %sub3A_8 {strides = array<i32>} : memref<16384xf32, #tpu.memory_space<vmem>>, vector<16384xf32>,
    return
  }
}

</mosaic_0001>

<sc_bundles>
// kernel: kernel.4.cloned.1.call-start
scs
__scs_entry_jumppad:
0x0: {  	(pc) =	sbr.rel $0x88, $3  }
0x1: {  	(tag) =	ssettag $0x0;
	lr =	simm.s32 $0x1  }
0x2: {  	[smem:$0x3F9F] =	sst lr;
	_ =	strace $0xD0000000  }
0x3: {  	_ = 	snop  }
0x4: {  	_ = 	snop  }
0x5: {  	_ = 	snop  }
0x6: {  	_ = 	snop  }
0x7: {  	_ = 	snop  }
__scs_overlays_trampoline_lowered:
0x8: {  	[smem:$0x3FAE] =	sst s0  }
0x9: {  	[smem:$0x3FAF] =	sst s1  }
0xa: {  	[smem:$0x3FB0] =	sst s2  }
0xb: {  	[smem:$0x3FB1] =	sst s3  }
0xc: {  	[smem:$0x3FB2] =	sst s4  }
0xd: {  	[smem:$0x3FB3] =	sst s5  }
0xe: {  	[smem:$0x3FB4] =	sst s6  }
0xf: {  	[smem:$0x3FB5] =	sst s7  }
0x10: {  	[smem:$0x3FB6] =	sst s8  }
0x11: {  	[smem:$0x3FB7] =	sst s9;
	s0 =	simm.s32 @!p0 $0x0  }
0x12: {  	s1 =	sld [smem:$0x3F9D];
	s0 =	simm.s32 @p0 $0x1  }
0x13: {  	[smem:$0x3FB8] =	sst s0;
	s0 =	simm.s32 @!p1 $0x0  }
0x14: {  	s2 =	sld [smem:$0x3F9C];
	s0 =	simm.s32 @p1 $0x1  }
0x15: {  	[smem:$0x3FB9] =	sst s0;
	s0 =	simm.s32 @!p2 $0x0  }
0x16: {  	s3 =	sld [smem:$0x3FDB];
	s0 =	simm.s32 @p2 $0x1  }
0x17: {  	s4 =	simm.s32 $0x1BF5;
	[smem:$0x3FBB] =	sst s0  }
0x18: {  	s0 =	sld [smem:$0x3F9E];
	_ =	swait.ge [sflag:s4], $0x0  }
0x19: {  	s7 =	sld [smem:$0x3F9F]  }
0x1a: {  	s8 =	sadd.s32 $0xFFFFE003, lr  }
0x1b: {  	s9 =	sadd.s32 $0xFFFFFEF7, lr;
	s5 =	simm.s32 $0xFFFFFFFF;
	p2 =	slt.u32 s8, $0xFFFFF086  }
0x1c: {  	p1 =	slt.u32 s9, $0xF7A;
	s5 =	simm.s32 @!p2 $0x0  }
0x1d: {  	s5 =	simm.s32 @p1 $0x1;
	p0 =	seq.s32 s7, s2  }
0x1e: {  	s7 =	smul.u32 @!p0 $0xF7A, s2;
	p2 =	seq.s32 @!p0 s5, $0x0  }
0x1f: {  	s9 =	smul.u32 $0xF7A, s1;
	s8 =	simm.s32 @!p0 $0x1BF5;
	p2 =	por !p2, p0  }
0x20: {  	[sflag:s8] =	ssyncset.s32 @!p0 $0xFFFFF086;
	s6 =	sadd.s32 @!p0 s3, s7;
	s7 =	simm.s32 @!p0 $0x108  }
0x21: {  	s3 =	sadd.s32 s3, s9;
	s6 =	sadd.s32 @!p0 $0x88, s6;
	s7 =	simm.s32 @p2 $0x1082  }
0x22: {  	[simem:s7], [sflag:s8] =	dma.local @!p0 [hbm:s6], $0xF7A  }
0x23: {  	s9 =	sor.u32 $0xD0000000, s2;
	s6 =	simm.s32 $0x108;
	_ =	swait.ge @!p0 [sflag:s8], $0x0  }
0x24: {  	s3 =	sadd.s32 $0x88, s3;
	s6 =	simm.s32 @!p1 $0x1082;
	[sflag:s4] =	ssyncset.s32 $0xFFFFF086  }
0x25: {  	[simem:s6], [sflag:s4] =	dma.local [hbm:s3], $0xF7A  }
0x26: {  	[smem:$0x3F9F] =	sst s1;
	(tag) =	ssettag s2;
	_ =	strace s9  }
0x27: {  	s1 =	sld [smem:$0x3FAF]  }
0x28: {  	s2 =	sld [smem:$0x3FB0]  }
0x29: {  	s4 =	sld [smem:$0x3FB2]  }
0x2a: {  	p0 =	seq.s32 s5, $0x0;
	s5 =	sld [smem:$0x3FB3]  }
0x2b: {  	s6 =	sld [smem:$0x3FB4]  }
0x2c: {  	s7 =	sld [smem:$0x3FB5]  }
0x2d: {  	s3 =	simm.s32 $0x108;
	s8 =	sld [smem:$0x3FB6]  }
0x2e: {  	s3 =	simm.s32 @!p0 $0x1082;
	s9 =	sld [smem:$0x3FB7]  }
0x2f: {  	lr =	sadd.s32 s0, s3;
	s0 =	sld [smem:$0x3FAE]  }
0x30: {  	s3 =	sld [smem:$0x3FB1]  }
0x31: {  	[smem:$0x3FBA] =	sst s10  }
0x32: {  	s10 =	sld [smem:$0x3FB8];
	_ =	sdelay $0x3  }
0x33: {  	p0 =	seq.s32 s10, $0x1;
	s10 =	sld [smem:$0x3FBA];
	_ =	sdelay $0x3  }
0x34: {  	[smem:$0x3FBA] =	sst s10  }
0x35: {  	s10 =	sld [smem:$0x3FB9];
	_ =	sdelay $0x3  }
0x36: {  	p1 =	seq.s32 s10, $0x1;
	s10 =	sld [smem:$0x3FBA];
	_ =	sdelay $0x3  }
0x37: {  	[smem:$0x3FBA] =	sst s10  }
0x38: {  	s10 =	sld [smem:$0x3FBB]  }
0x39: {  	_ = 	snop;
	(pc) =	sbr.ind lr, $3  }
0x3a: {  	_ = 	snop  }
0x3b: {  	_ = 	snop  }
0x3c: {  	p2 =	seq.s32 s10, $0x1;
	s10 =	sld [smem:$0x3FBA]  }
0x3d: {  	_ =	shalt  }
0x3e: {  	_ =	shalt  }
0x3f: {  	_ =	shalt  }
0x40: {  	_ =	shalt  }
0x41: {  	_ =	shalt  }
0x42: {  	_ =	shalt  }
0x43: {  	_ =	shalt  }
0x44: {  	_ =	shalt  }
0x45: {  	_ =	shalt  }
0x46: {  	_ =	shalt  }
0x47: {  	_ =	shalt  }
0x48: {  	_ =	shalt  }
0x49: {  	_ =	shalt  }
0x4a: {  	_ =	shalt  }
0x4b: {  	_ =	shalt  }
0x4c: {  	_ =	shalt  }
0x4d: {  	_ =	shalt  }
0x4e: {  	_ =	shalt  }
0x4f: {  	_ =	shalt  }
0x50: {  	_ =	shalt  }
0x51: {  	_ =	shalt  }
0x52: {  	_ =	shalt  }
0x53: {  	_ =	shalt  }
0x54: {  	_ =	shalt  }
0x55: {  	_ =	shalt  }
0x56: {  	_ =	shalt  }
0x57: {  	_ =	shalt  }
0x58: {  	_ =	shalt  }
0x59: {  	_ =	shalt  }
0x5a: {  	_ =	shalt  }
0x5b: {  	_ =	shalt  }
0x5c: {  	_ =	shalt  }
0x5d: {  	_ =	shalt  }
0x5e: {  	_ =	shalt  }
0x5f: {  	_ =	shalt  }
0x60: {  	_ =	shalt  }
0x61: {  	_ =	shalt  }
0x62: {  	_ =	shalt  }
0x63: {  	_ =	shalt  }
0x64: {  	_ =	shalt  }
0x65: {  	_ =	shalt  }
0x66: {  	_ =	shalt  }
0x67: {  	_ =	shalt  }
0x68: {  	_ =	shalt  }
0x69: {  	_ =	shalt  }
0x6a: {  	_ =	shalt  }
0x6b: {  	_ =	shalt  }
0x6c: {  	_ =	shalt  }
0x6d: {  	_ =	shalt  }
0x6e: {  	_ =	shalt  }
0x6f: {  	_ =	shalt  }
0x70: {  	_ =	shalt  }
0x71: {  	_ =	shalt  }
0x72: {  	_ =	shalt  }
0x73: {  	_ =	shalt  }
0x74: {  	_ =	shalt  }
0x75: {  	_ =	shalt  }
0x76: {  	_ =	shalt  }
0x77: {  	_ =	shalt  }
0x78: {  	_ =	shalt  }
0x79: {  	_ =	shalt  }
0x7a: {  	_ =	shalt  }
0x7b: {  	_ =	shalt  }
0x7c: {  	_ =	shalt  }
0x7d: {  	_ =	shalt  }
0x7e: {  	_ =	shalt  }
0x7f: {  	_ =	shalt  }
0x80: {  	_ =	shalt  }
0x81: {  	_ =	shalt  }
0x82: {  	_ =	shalt  }
0x83: {  	_ =	shalt  }
0x84: {  	_ =	shalt  }
0x85: {  	_ =	shalt  }
0x86: {  	_ =	shalt  }
0x87: {  	_ =	shalt  }
.Lfunc_end0:
.L_simem_size_0:
called_computation_lowered:
.L_overlay_start_0:
0x88: {  	s2 =	sld [smem:$0x3FD9]  }
0x89: {  	s3 =	sld [smem:$0x3FFE];
	_ =	sdelay $0x1  }
0x8a: {  	s1 =	srdreg.scid  }
0x8b: {  	s0 =	sand.u32 $0x1, s1  }
0x8c: {  	s17 =	sshll.u32 s0, $0xA;
	s2 =	sadd.s32 s3, s2  }
0x8d: {  	s2 =	sadd.s32 s2, s17  }
0x8e: {  	[smem:$0x3FC6] =	sst s2  }
0x8f: {  	_ = 	snop  }
0x90: {  	s2 =	sld [smem:$0x3FC9]  }
0x91: {  	s18 =	sld [smem:$0x3FC8]  }
0x92: {  	s4 =	sld [smem:$0x3FD0];
	(tm) =	ssettm $0x1  }
0x93: {  	s5 =	sld [smem:$0x3FFB];
	_ =	sdelay $0x3  }
0x94: {  	_ =	strace s5  }
0x95: {  	s5 =	sld [smem:$0x3FFC];
	_ =	sdelay $0x3  }
0x96: {  	_ =	strace s5  }
0x97: {  	s5 =	sld [smem:$0x3FFD];
	_ =	sdelay $0x3  }
0x98: {  	_ =	strace s5  }
0x99: {  	_ =	strace $0x8FFFFFFF  }
0x9a: {  	s19 =	sld [smem:$0x3FDB];
	_ =	sdelay $0x1  }
0x9b: {  	s6 =	simm.s32 $_scs_section_size  }
0x9c: {  	s7 =	simm.s32 $_size__tile_overlayer_lowered;
	s8 =	simm.s32 $_tile_overlayer_lowered  }
0x9d: {  	s22 =	simm.s32 $0x1BFF;
	s21 =	sshll.u32 s8, $0x1;
	s5 =	sadd.s32 s6, s19  }
0x9e: {  	s9 =	simm.s32 $0x0;
	s20 =	sshll.u32 s7, $0x1;
	s7 =	sadd.s32 s21, s5  }
0x9f: {  	[timem:s9], [sflag:s22] =	dma.local [hbm:s7], s20  }
0xa0: {  	_ =	swait.ge [sflag:s22], s20  }
0xa1: {  	s6 =	ssub.s32 $0x0, s20;
	[sflag:s22] =	ssyncset.done $0x0  }
0xa2: {  	[sflag:s22] =	ssyncadd.s32 s6;
	_ =	sdelay $0x1  }
0xa3: {  	s23 =	simm.s32 $0x1B8B  }
0xa4: {  	_ =	swait.ge [sflag:s23], $0x1  }
0xa5: {  	[sflag:s23] =	ssyncset.done $0x0  }
0xa6: {  	s25 =	simm.s32 $0x1B8E;
	s24 =	sld [smem:$0x3FFE];
	[sflag:s23] =	ssyncadd.s32 $0xFFFFFFFF  }
0xa7: {  	s26 =	simm.s32 $execute0_lowered;
	[smem:$0x3FD2] =	sst s25  }
0xa8: {  	s7 =	sshll.u32 s26, $0x1;
	_ =	strace $0x80000046;
	[dreg:$0x1] =	wrdreg $0xFFFFFFFF  }
0xa9: {  	s28 =	simm.s32 $_size_execute0_lowered;
	s5 =	sadd.s32 s5, s7;
	[dreg:$0x0] =	wrdreg $0x0  }
0xaa: {  	s7 =	sshll.u32 s28, $0x1;
	[dreg:$0x2] =	wrdreg s5  }
0xab: {  	[dreg:$0x3] =	wrdreg s7  }
0xac: {  	[dreg:$0x4] =	wrdreg $0xC0  }
0xad: {  	_ =	task [dreg:s9], $0x5FFFF  }
0xae: {  	[dreg:$0x1] =	wrdreg $0xFFFFFFFF  }
0xaf: {  	[dreg:$0x0] =	wrdreg $0x60  }
0xb0: {  	[dreg:$0x2] =	wrdreg s2  }
0xb1: {  	[dreg:$0x3] =	wrdreg s18  }
0xb2: {  	[dreg:$0x4] =	wrdreg s4  }
0xb3: {  	[dreg:$0x5] =	wrdreg s24  }
0xb4: {  	[dreg:$0x6] =	wrdreg $0x9  }
0xb5: {  	_ =	task.clear_ibuf [dreg:s9], $0x7FFFF;
	_ =	strace $0x90000046  }
0xb6: {  	s29 =	simm.s32 $0x9;
	_ =	strace $0x80000048  }
0xb7: {  	_ =	swait.ge [sflag:s29], $0x1  }
0xb8: {  	[sflag:s29] =	ssyncadd.s32 $0xFFFFFFFF  }
0xb9: {  	_ =	strace $0x90000048  }
0xba: {  	_ =	sfence  }
0xbb: {  	s30 =	sld [smem:$0x0];
	_ =	sdelay $0x2  }
0xbc: {  	s31 =	sshll.u32 s1, $0xD;
	s1 =	sshrl.u32 s1, $0x2  }
0xbd: {  	s3 =	sand.u32 $0x4000, s31;
	s1 =	sadd.s32 s1, s30  }
0xbe: {  	s0 =	sor.u32 s3, s0;
	s1 =	sshll.u32 s1, $0x11  }
0xbf: {  	s0 =	sor.u32 s1, s0  }
0xc0: {  	s0 =	sadd.s32 $0x8F2B, s0  }
0xc1: {  	[sflag:s0] =	ssyncadd.remote.s32 $0x1  }
0xc2: {  	_ =	sfence.sel $0xFFFF  }
0xc3: {  	[dreg:$0x0] =	wrdreg $0xFFFFFFFF;
	(pc) =	sbr.abs _section_cstart, $3  }
0xc4: {  	[dreg:$0x1] =	wrdreg $0xFFFFFFFF  }
0xc5: {  	_ =	task.clear_ibuf [dreg:s9], $0x2FFFF;
	_ =	strace $0x9FFFFFFF  }
0xc6: {  	(tm) =	ssettm $0x7FFFFFFF  }
0xc7: {  	_ =	shalt  }
tec
execute0_lowered:
.L_overlay_start_1:
0x0: {  	(tag) =	ssettag $0x1  }
0x1: {  	s1 =	rddreg [dreg:$0x0]  }
0x2: {  	s7 =	rddreg [dreg:$0x1]  }
0x3: {  	s10 =	rddreg [dreg:$0x2];
	s2 =	srdreg.scid  }
0x4: {  	s0 =	stileid.u32;
	s4 =	rddreg [dreg:$0x3];
	s3 =	simm.s32 $0x0  }
0x5: {  	s13 =	simm.s32 $0x4100;
	s14 =	simm.s32 $0x7E00;
	s15 =	simm.s32 $0x4  }
0x6: {  	s16 =	simm.s32 $0x80;
	s17 =	simm.s32 $0x200;
	s18 =	simm.s32 $0x280  }
0x7: {  	s19 =	simm.s32 $0x100;
	s20 =	simm.s32 $0x300;
	s21 =	simm.s32 $0x180  }
0x8: {  	s22 =	simm.s32 $0x380;
	s23 =	simm.s32 $0x2;
	s24 =	simm.s32 $0x3  }
0x9: {  	s26 =	simm.s32 $0x7F00;
	s5 =	sand.u32 $0x1, s2;
	s2 =	rddreg [dreg:$0x4]  }
0xa: {  	s28 =	simm.s32 $0x0;
	s6 =	sshll.u32 s0, $0x1;
	[smem:$0x7FF] =	sst s3  }
0xb: {  	s25 =	sor.u32 s5, s6;
	_ =	strace $0x80000047;
	s5 =	ssub.s32 $0x2, s5  }
0xc: {  	s6 =	smul.u32 $0x7A10, s25;
	s8 =	sshll.u32 s25, $0x1;
	s31 =	sshrl.u32 s5, $0x1  }
0xd: {  	s12 =	sshll.u32 s25, $0x6;
	p0 =	sne.s32 s25, $0x0;
	s25 =	simm.s32 $0x1  }
0xe: {  	s9 =	sadd.s32 s8, s4;
	s11 =	ssub.s32 s5, s31;
	s7 =	sadd.s32 s7, s12  }
0xf: {  	s8 =	sadd.s32 $0x1E840, s1;
	s10 =	sadd.s32 s10, s12;
	s6 =	sshrl.u32 s6, $0x3  }
0x10: {  	s12 =	simm.s32 $0x400;
	s9 =	sadd.s32 $0xC00, s9;
	s4 =	sadd.s32 s1, s6  }
0x11: {  	s11 =	smax.u32 s11, $0x1;
	s5 =	sadd.s32 $0x7A0, s4;
	s6 =	sadd.s32 $0xF40, s4  }
.LBB2_1:
0x12: {  	[tilespmem:s12], [sflag:$0x2] =	stream.linear.gather [hbm4b:s4+s3], $0x3D00, $0x38;
	[tilespmem:$0x7F80] =	vst v63  }
0x13: {  	_ = 	snop  }
0x14: {  	[tilespmem:s13], [sflag:$0x3] =	stream.linear.gather [hbm4b:s5+s3], $0x3D00, $0x38;
	[tilespmem:$0x7F80] =	vst v63  }
0x15: {  	_ = 	snop  }
0x16: {  	[tilespmem:s14], [sflag:$0x1] =	stream.linear.gather [hbm4b:s6+s3], $0x10, $0x38;
	[tilespmem:$0x7F80] =	vst v63  }
0x17: {  	_ = 	snop  }
0x18: {  	[tilespmem:s3], [sflag:$0x4] =	stream.linear.gather [hbm4b:s7+s3], $0x200, $0x38;
	[tilespmem:$0x7F80] =	vst v63  }
0x19: {  	_ =	swait.ge [sflag:s15], $0x200  }
0x1a: {  	[sflag:s15] =	ssyncset.done $0x0  }
0x1b: {  	[sflag:s15] =	ssyncadd.s32 $0xFFFFFE00  }
0x1c: {  	[tilespmem:s17], [sflag:$0x1] =	stream.indirect.gather [hbm4b:s1+s16], $0x1, s3, s16, $0xb8;
	[tilespmem:$0x7F80] =	vst v63  }
0x1d: {  	_ = 	snop  }
0x1e: {  	[tilespmem:s18], [sflag:$0x1] =	stream.indirect.gather [hbm4b:s1+s16], $0x1, s16, s16, $0xb8;
	[tilespmem:$0x7F80] =	vst v63  }
0x1f: {  	_ = 	snop  }
0x20: {  	[tilespmem:s20], [sflag:$0x1] =	stream.indirect.gather [hbm4b:s1+s16], $0x1, s19, s16, $0xb8;
	[tilespmem:$0x7F80] =	vst v63  }
0x21: {  	_ = 	snop  }
0x22: {  	[tilespmem:s22], [sflag:$0x1] =	stream.indirect.gather [hbm4b:s1+s16], $0x1, s21, s16, $0xb8;
	[tilespmem:$0x7F80] =	vst v63  }
0x23: {  	_ =	swait.ge [sflag:s23], $0x3D00  }
0x24: {  	[sflag:s23] =	ssyncset.done $0x0  }
0x25: {  	s31 =	simm.s32 $0x0;
	[sflag:s23] =	ssyncadd.s32 $0xFFFFC300  }
0x26: {  	v0 =	vld [tilespmem:s31+$0x470]  }
0x27: {  	v2 =	vld [tilespmem:s31+$0x400]  }
0x28: {  	v4 =	vld [tilespmem:s31+$0x410]  }
0x29: {  	v5 =	vld [tilespmem:s31+$0x420]  }
0x2a: {  	v8 =	vld [tilespmem:s31+$0x430]  }
0x2b: {  	v3 =	vimm.f32 $0.0e+00;
	v9 =	vimm.f32 $0.0e+00;
	v6 =	vld [tilespmem:s31+$0x440]  }
0x2c: {  	v10 =	vimm.f32 $0.0e+00;
	v7 =	vimm.f32 $0.0e+00;
	v11 =	vld [tilespmem:s31+$0x450];
	v1 =	vadd.f32 v0, v3  }
0x2d: {  	s29 =	simm.s32 $0x80;
	s30 =	simm.s32 $0x400;
	v12 =	vld [tilespmem:s31+$0x460];
	v0 =	vadd.f32 v2, v3;
	v2 =	vadd.f32 v4, v3;
	v4 =	vimm.f32 $0.0e+00  }
.LBB2_2:
0x2e: {  	p1 =	sne.s32 s30, $0xF200;
	v13 =	vld [tilespmem:s29+$0x470];
	v3 =	vadd.f32 v5, v3  }
0x2f: {  	v14 =	vld [tilespmem:s29+$0x400];
	v4 =	vadd.f32 v8, v4  }
0x30: {  	v15 =	vld [tilespmem:s29+$0x410];
	v9 =	vadd.f32 v6, v9  }
.Ltmp0:
0x31: {  	v5 =	vld [tilespmem:s29+$0x420];
	v10 =	vadd.f32 v11, v10;
	(pc) =	sbr.rel @p1 .LBB2_2-.Ltmp0, $4  }
0x32: {  	v8 =	vld [tilespmem:s29+$0x430];
	v7 =	vadd.f32 v12, v7  }
0x33: {  	v6 =	vld [tilespmem:s29+$0x440];
	v1 =	vadd.f32 v13, v1  }
0x34: {  	v0 =	vadd.f32 v14, v0;
	v11 =	vld [tilespmem:s29+$0x450]  }
0x35: {  	v2 =	vadd.f32 v15, v2;
	v12 =	vld [tilespmem:s29+$0x460];
	s29 =	sshra.s32 s30, $0x2;
	s30 =	sadd.s32 $0x200, s30  }
0x36: {  	v13 =	vld [tilespmem:s29+$0x470]  }
0x37: {  	v14 =	vld [tilespmem:s29+$0x400]  }
0x38: {  	v15 =	vld [tilespmem:s29+$0x410]  }
0x39: {  	v16 =	vld [tilespmem:s29+$0x420]  }
0x3a: {  	v17 =	vld [tilespmem:s29+$0x430]  }
0x3b: {  	v18 =	vld [tilespmem:s29+$0x440]  }
0x3c: {  	v19 =	vld [tilespmem:s29+$0x450]  }
0x3d: {  	v20 =	vld [tilespmem:s29+$0x460];
	_ =	swait.ge [sflag:s24], $0x3D00  }
0x3e: {  	[sflag:s24] =	ssyncset.done $0x0  }
0x3f: {  	s31 =	simm.s32 $0x0;
	[sflag:s24] =	ssyncadd.s32 $0xFFFFC300  }
0x40: {  	v3 =	vadd.f32 v5, v3;
	v4 =	vadd.f32 v8, v4;
	v8 =	vld [tilespmem:s31+$0x4170]  }
0x41: {  	v6 =	vadd.f32 v6, v9;
	v11 =	vadd.f32 v11, v10;
	v21 =	vld [tilespmem:s31+$0x4100]  }
0x42: {  	v7 =	vadd.f32 v12, v7;
	v12 =	vadd.f32 v13, v1;
	v13 =	vld [tilespmem:s31+$0x4110]  }
0x43: {  	v10 =	vld [tilespmem:s31+$0x4120];
	v14 =	vadd.f32 v14, v0;
	v15 =	vadd.f32 v15, v2  }
0x44: {  	v9 =	vld [tilespmem:s31+$0x4130];
	v5 =	vadd.f32 v16, v3;
	v4 =	vadd.f32 v17, v4  }
0x45: {  	v3 =	vadd.f32 v18, v6;
	v2 =	vadd.f32 v19, v11;
	v6 =	vld [tilespmem:s31+$0x4140]  }
0x46: {  	v1 =	vadd.f32 v20, v7;
	v7 =	vld [tilespmem:s31+$0x4150];
	v0 =	vadd.f32 v8, v12  }
0x47: {  	s29 =	simm.s32 $0x80;
	s30 =	simm.s32 $0x400;
	v11 =	vadd.f32 v21, v14;
	v8 =	vld [tilespmem:s31+$0x4160];
	v12 =	vadd.f32 v13, v15  }
.LBB2_4:
0x48: {  	p1 =	sne.s32 s30, $0xF200;
	v13 =	vld [tilespmem:s29+$0x4170];
	v5 =	vadd.f32 v10, v5  }
0x49: {  	v14 =	vld [tilespmem:s29+$0x4100];
	v4 =	vadd.f32 v9, v4  }
0x4a: {  	v15 =	vld [tilespmem:s29+$0x4110];
	v3 =	vadd.f32 v6, v3  }
.Ltmp1:
0x4b: {  	v10 =	vld [tilespmem:s29+$0x4120];
	v2 =	vadd.f32 v7, v2;
	(pc) =	sbr.rel @p1 .LBB2_4-.Ltmp1, $4  }
0x4c: {  	v9 =	vld [tilespmem:s29+$0x4130];
	v1 =	vadd.f32 v8, v1  }
0x4d: {  	v6 =	vld [tilespmem:s29+$0x4140];
	v0 =	vadd.f32 v13, v0  }
0x4e: {  	v11 =	vadd.f32 v14, v11;
	v7 =	vld [tilespmem:s29+$0x4150]  }
0x4f: {  	v12 =	vadd.f32 v15, v12;
	v8 =	vld [tilespmem:s29+$0x4160];
	s29 =	sshra.s32 s30, $0x2;
	s30 =	sadd.s32 $0x200, s30  }
0x50: {  	v13 =	vld [tilespmem:s29+$0x4100]  }
0x51: {  	v14 =	vld [tilespmem:s29+$0x4110];
	_ =	sdelay $0x1  }
0x52: {  	v15 =	vld [tilespmem:s29+$0x4120];
	_ =	sdelay $0x1  }
0x53: {  	v5 =	vadd.f32 v10, v5;
	v58 =	vld [tilespmem:s29+$0x4130]  }
0x54: {  	v11 =	vadd.f32 v13, v11;
	v12 =	vadd.f32 v14, v12  }
0x55: {  	v59 =	vld [tilespmem:s29+$0x4140];
	v4 =	vadd.f32 v9, v4  }
0x56: {  	v5 =	vadd.f32 v15, v5;
	v11 =	vadd.f32 v12, v11  }
0x57: {  	v60 =	vld [tilespmem:s29+$0x4150];
	v3 =	vadd.f32 v6, v3  }
0x58: {  	v4 =	vadd.f32 v58, v4;
	v5 =	vadd.f32 v5, v11  }
0x59: {  	v61 =	vld [tilespmem:s29+$0x4160];
	v2 =	vadd.f32 v7, v2  }
0x5a: {  	v3 =	vadd.f32 v59, v3;
	v4 =	vadd.f32 v4, v5  }
0x5b: {  	v62 =	vld [tilespmem:s29+$0x4170];
	v1 =	vadd.f32 v8, v1  }
0x5c: {  	_ =	swait.ge [sflag:s25], $0x10;
	v2 =	vadd.f32 v60, v2;
	v3 =	vadd.f32 v3, v4  }
0x5d: {  	[sflag:s25] =	ssyncset.done $0x0  }
0x5e: {  	[sflag:s25] =	ssyncadd.s32 $0xFFFFFFF0;
	v1 =	vadd.f32 v61, v1;
	v2 =	vadd.f32 v2, v3  }
0x5f: {  	v63 =	vld [tilespmem:$0x7E00]  }
0x60: {  	v0 =	vadd.f32 v62, v0;
	v1 =	vadd.f32 v1, v2;
	_ =	sdelay $0x1  }
0x61: {  	v0 =	vadd.f32 v0, v1;
	_ =	sdelay $0x1  }
0x62: {  	v0 =	vadd.f32 v63, v0;
	_ =	sdelay $0x1  }
0x63: {  	s29 =	simm.s32 @!p0 $0x0;
	s30 =	simm.s32 @!p0 $0x7E80;
	[tilespmem:$0x7F00] =	vst v0  }
0x64: {  	[tilespmem:s30], [sflag:$0x4] =	stream.linear.gather @!p0 [hbm4b:s8+s29], $0x40, $0x38;
	[tilespmem:$0x7F80] =	vst v63  }
0x65: {  	s29 =	simm.s32 @!p0 $0x4  }
0x66: {  	_ =	swait.ge @!p0 [sflag:s29], $0x40  }
0x67: {  	[sflag:s29] =	ssyncset.done @!p0 $0x0  }
0x68: {  	[sflag:s29] =	ssyncadd.s32 @!p0 $0xFFFFFFC0  }
0x69: {  	v1 =	vld @!p0 [tilespmem:$0x7E80];
	_ =	sdelay $0x1  }
0x6a: {  	v2 =	vld @!p0 [tilespmem:$0x7E90];
	_ =	sdelay $0x1  }
0x6b: {  	v3 =	vld @!p0 [tilespmem:$0x7EA0]  }
0x6c: {  	v1 =	vadd.f32 @!p0 $0.0e+00, v1  }
0x6d: {  	v4 =	vld @!p0 [tilespmem:$0x7EB0]  }
0x6e: {  	v1 =	vadd.f32 @!p0 v2, v1;
	_ =	sdelay $0x1  }
0x6f: {  	v1 =	vadd.f32 @!p0 v3, v1;
	_ =	sdelay $0x1  }
0x70: {  	v1 =	vadd.f32 @!p0 v4, v1;
	_ =	sdelay $0x1  }
0x71: {  	v0 =	vadd.f32 @!p0 v1, v0;
	_ =	sdelay $0x1  }
0x72: {  	[tilespmem:$0x7F00] =	vst @!p0 v0  }
0x73: {  	[hbm4b:s9+s3] =	stream.linear.scatter [tilespmem:s26], [sflag:$0x4], $0x10, $0x38;
	[tilespmem:$0x7F80] =	vst v63  }
0x74: {  	_ =	swait.ge [sflag:s15], $0x10  }
0x75: {  	[sflag:s15] =	ssyncset.done $0x0  }
0x76: {  	[sflag:s15] =	ssyncadd.s32 $0xFFFFFFF0  }
0x77: {  	_ =	swait.ge [sflag:s25], $0x80  }
0x78: {  	[sflag:s25] =	ssyncset.done $0x0  }
0x79: {  	[sflag:s25] =	ssyncadd.s32 $0xFFFFFF80  }
0x7a: {  	_ =	swait.ge [sflag:s25], $0x80  }
0x7b: {  	[sflag:s25] =	ssyncset.done $0x0  }
0x7c: {  	[sflag:s25] =	ssyncadd.s32 $0xFFFFFF80  }
0x7d: {  	_ =	swait.ge [sflag:s25], $0x80  }
0x7e: {  	[sflag:s25] =	ssyncset.done $0x0  }
0x7f: {  	[sflag:s25] =	ssyncadd.s32 $0xFFFFFF80  }
0x80: {  	s28 =	sadd.s32 $0x1, s28;
	_ =	swait.ge [sflag:s25], $0x80  }
0x81: {  	p1 =	sne.s32 s28, s11;
	[sflag:s25] =	ssyncset.done $0x0  }
.Ltmp2:
0x82: {  	[sflag:s25] =	ssyncadd.s32 $0xFFFFFF80;
	(pc) =	sbr.rel @p1 .LBB2_1-.Ltmp2, $4  }
0x83: {  	[hbm4b:s10+s3] =	stream.linear.scatter [tilespmem:s17], [sflag:$0x4], $0x200, $0x38;
	[tilespmem:$0x7F80] =	vst v63  }
0x84: {  	_ =	swait.ge [sflag:s15], $0x200  }
0x85: {  	[sflag:s15] =	ssyncset.done $0x0  }
0x86: {  	[sflag:s15] =	ssyncadd.s32 $0xFFFFFE00  }
0x87: {  	_ =	sfence.sel $0x180000  }
0x88: {  	[bflag:$0x0] =	sbarrier.arrive $0xFFFF  }
0x89: {  	p0 =	sne.s32 s0, $0x0;
	_ =	strace $0x90000047  }
0x8a: {  	s0 =	sadd.s32 @!p0 $0x100000, s2;
	[bflag:$0x2] =	sbarrier.arrive $0xFFFF  }
0x8b: {  	[sflag:s0] =	ssyncadd.tile.s32 @!p0 $0x1;
	_ =	shalt  }
.Lfunc_end2:
_tile_overlayer_lowered:
.L_overlay_start_2:
0x8c: {  	(tag) =	ssettag $0x2  }
0x8d: {  	s0 =	rddreg [dreg:$0x0];
	s2 =	stileid.u32  }
0x8e: {  	s1 =	rddreg [dreg:$0x1];
	p0 =	sne.s32 s2, $0x0  }
0x8f: {  	s3 =	rddreg [dreg:$0x2];
	[bflag:$0x3] =	sbarrier.arrive $0xFFFF;
	s2 =	simm.s32 @!p0 $0x1C04  }
0x90: {  	[timem:s3], [sflag:s2] =	dma.local @!p0 [hbm:s0], s1  }
0x91: {  	s0 =	simm.s32 @!p0 $0x4  }
0x92: {  	_ =	swait.ge @!p0 [sflag:s0], s1  }
0x93: {  	s1 =	ssub.s32 @!p0 $0x0, s1;
	[sflag:s0] =	ssyncset.done @!p0 $0x0  }
0x94: {  	[sflag:s0] =	ssyncadd.s32 @!p0 s1  }
0x95: {  	[bflag:$0x3] =	sbarrier.arrive $0xFFFF  }
0x96: {  	_ =	shalt  }

</sc_bundles>
